<compile_context>
chip_gen: v7x
topology: tpu7x:2x2x1
jax: 0.10.2.dev20260603
libtpu: 0.0.44.dev20260713+nightly
codegen_flags: <defaults>
</compile_context>

<pallas_src>
import functools

import jax
import jax.numpy as jnp
from jax import lax
from jax.experimental import pallas as pl
from jax.experimental.pallas import tpu as pltpu
from jax.experimental.pallas import tpu_sc as plsc

_HIDDEN = 64
_MAX_LEN = 2048
_TABLE_ROWS = 2 * _MAX_LEN - 1
_SPLIT = 1024


def _make_sc_kernel(S: int, D: int, T: int, row_lo: int, n_rows: int):
    info = plsc.get_sparse_core_info()
    num_cores, num_subcores = info.num_cores, info.num_subcores
    num_workers = num_cores * num_subcores
    rows_per_worker = n_rows // num_workers
    depth = 8

    mesh = plsc.VectorSubcoreMesh(core_axis_name="c", subcore_axis_name="s")

    @functools.partial(
        pl.kernel,
        mesh=mesh,
        out_type=jax.ShapeDtypeStruct((n_rows, S, D), jnp.float32),
        scratch_types=[
            pltpu.VMEM_SHARED((T, D), jnp.float32),
            pltpu.SemaphoreType.DMA,
        ],
    )
    def sc_kernel(table_hbm, out_hbm, spmem_table, sem):
        c = lax.axis_index("c")
        s = lax.axis_index("s")

        @pl.when(s == 0)
        def _stage():
            pltpu.sync_copy(table_hbm, spmem_table)

        plsc.subcore_barrier()

        wid = c * num_subcores + s
        base = wid * rows_per_worker

        def copy_descr(local_i):
            i = row_lo + local_i
            src = spmem_table.at[pl.ds((S - 1) - i, S)]
            return pltpu.make_async_copy(src, out_hbm.at[local_i], sem)

        for t in range(depth):
            copy_descr(base + t).start()

        @pl.loop(0, rows_per_worker - depth)
        def _steady(k):
            copy_descr(base + k).wait()
            copy_descr(base + k + depth).start()

        @pl.loop(0, depth)
        def _drain(k):
            copy_descr(base + rows_per_worker - depth + k).wait()

    return sc_kernel


def _make_tc_kernel(S: int, D: int, n_rows: int, block_rows: int = 8):
    T_pad = 2 * S

    def body(table_ref, out_ref):
        b = pl.program_id(0)
        for ii in range(block_rows):
            i = b * block_rows + ii
            out_ref[ii] = table_ref[pl.ds((S - 1) - i, S), :]

    return pl.pallas_call(
        body,
        grid=(n_rows // block_rows,),
        in_specs=[pl.BlockSpec((T_pad, D), lambda b: (0, 0))],
        out_specs=pl.BlockSpec((block_rows, S, D), lambda b: (b, 0, 0)),
        out_shape=jax.ShapeDtypeStruct((n_rows, S, D), jnp.float32),
    )


_sc_kernel = _make_sc_kernel(_MAX_LEN, _HIDDEN, _TABLE_ROWS, _SPLIT,
                             _MAX_LEN - _SPLIT)
_tc_kernel = _make_tc_kernel(_MAX_LEN, _HIDDEN, _SPLIT)


def kernel(x, positional_params):
    del x
    table_pad = jnp.pad(positional_params, ((0, 1), (0, 0)))
    sc_part = _sc_kernel(positional_params)
    tc_part = _tc_kernel(table_pad)
    return jnp.concatenate([tc_part, sc_part], axis=0)

# --- scband reference (transcript-rebuilt; emitter-appended) ---
"""Pipeline reference for scband-relative-positional-encoding-24489903522535 (READ-ONLY COPY).

The authoritative reference and input builder live on the scoring server;
editing this copy changes nothing except your own understanding.
"""

import jax, jax.numpy as jnp
import numpy as np

HIDDEN_SIZE = 64
MAX_SOURCE_POSITIONS = 2048


def setup_inputs(seed: int = 0) -> dict:
    key = jax.random.key(seed)
    k1, k2 = jax.random.split(key)
    x = jax.random.normal(k1, (2, 2048, HIDDEN_SIZE), dtype=jnp.float32)
    positional_params = jax.random.normal(k2, (MAX_SOURCE_POSITIONS * 2 - 1, HIDDEN_SIZE), dtype=jnp.float32)
    return {"x": x, "positional_params": positional_params}


def reference(x, positional_params):
    max_length = MAX_SOURCE_POSITIONS
    input_length = x.shape[1]
    position_ids = jnp.arange(input_length)
    relative_position_matrix = position_ids[None, :] - position_ids[:, None]
    relative_position_matrix = relative_position_matrix + max_length - 1
    relative_position_embeddings = jnp.take(positional_params, relative_position_matrix, axis=0)
    return relative_position_embeddings

if __name__ == "__main__":
    import jax
    _d = setup_inputs()
    print(jax.jit(kernel)(*tuple(_d.values())))

</pallas_src>

<mosaic_0001>
#map = affine_map<(d0, d1) -> (0, 0)>
#map1 = affine_map<(d0, d1) -> (0, 0, 0)>
module attributes {stable_mosaic.version = 14 : i64} {
  func.func @sc_kernel(%arg0: i32, %arg1: i32, %arg2: memref<4095x64xf32, #tpu.memory_space<hbm>>, %arg3: memref<1024x2048x64xf32, #tpu.memory_space<hbm>>, %arg4: memref<4095x64xf32, #tpu.memory_space<vmem_shared>>, %arg5: memref<!tpu.dma_semaphore, #tpu.memory_space<semaphore_mem>>) attributes {dimension_semantics = [#tpu.dimension_semantics<core_parallel>, #tpu.dimension_semantics<subcore_parallel>], iteration_bounds = array<i64: 2, 16>, scalar_prefetch = 0 : i64, scratch_operands = 2 : i64, tpu.core_type = #tpu.core_type<sc_vector_subcore>, window_params = [{transform_indices = #map}, {transform_indices = #map1}]} {
    %eq3A = arith.constant 0 : i32
    %eq3A_0 = arith.cmpi eq, %arg1, %eq3A : i32
    %convert_element_type3A = arith.extui %eq3A_0 : i1 to i32
    %cond3A = arith.constant 0 : i32
    %cond3A_1 = arith.cmpi ne, %convert_element_type3A, %cond3A : i32
    scf.if %cond3A_1 {
      "tpu.region"() ({
        %run_scoped3A = tpu.sem_alloc : memref<!tpu.dma_semaphore, #tpu.memory_space<semaphore_mem>>
        tpu.enqueue_dma source(%arg2 : memref<4095x64xf32, #tpu.memory_space<hbm>>) target(%arg4 : memref<4095x64xf32, #tpu.memory_space<vmem_shared>>) target_semaphore(%run_scoped3A : memref<!tpu.dma_semaphore, #tpu.memory_space<semaphore_mem>>)
        tpu.wait_dma2 semaphore(%run_scoped3A : memref<!tpu.dma_semaphore, #tpu.memory_space<semaphore_mem>>) src(%arg2 : memref<4095x64xf32, #tpu.memory_space<hbm>>) dst(%arg4 : memref<4095x64xf32, #tpu.memory_space<vmem_shared>>)
        tpu.yield
      }) : () -> ()
    } else {
    }
    %barrier3A = arith.constant 0 : index
    tpu.barrier barrier_id(%barrier3A)
    %mul3A = arith.constant 16 : i32
    %mul3A_2 = arith.muli %arg0, %mul3A : i32
    %add3A = arith.addi %mul3A_2, %arg1 : i32
    %mul3A_3 = arith.constant 32 : i32
    %mul3A_4 = arith.muli %add3A, %mul3A_3 : i32
    %add3A_5 = arith.constant 0 : i32
    %add3A_6 = arith.addi %mul3A_4, %add3A_5 : i32
    %add3A_7 = arith.constant 1024 : i32
    %add3A_8 = arith.addi %add3A_7, %add3A_6 : i32
    %sub3A = arith.constant 2047 : i32
    %sub3A_9 = arith.subi %sub3A, %add3A_8 : i32
    %dma_start3A = arith.constant 0 : i32
    %dma_start3A_10 = arith.constant 0 : i32
    %dma_start3A_11 = tpu.memref_slice %arg3[%add3A_6, %dma_start3A, %dma_start3A_10] : memref<1024x2048x64xf32, #tpu.memory_space<hbm>> -> memref<1x2048x64xf32, #tpu.memory_space<hbm>>
    %dma_start3A_12 = tpu.memref_squeeze %dma_start3A_11 : memref<1x2048x64xf32, #tpu.memory_space<hbm>> -> memref<2048x64xf32, #tpu.memory_space<hbm>>
    %dma_start3A_13 = arith.constant 0 : i32
    %dma_start3A_14 = tpu.memref_slice %arg4[%sub3A_9, %dma_start3A_13] : memref<4095x64xf32, #tpu.memory_space<vmem_shared>> -> memref<2048x64xf32, #tpu.memory_space<vmem_shared>>
    tpu.enqueue_dma source(%dma_start3A_14 : memref<2048x64xf32, #tpu.memory_space<vmem_shared>>) target(%dma_start3A_12 : memref<2048x64xf32, #tpu.memory_space<hbm>>) target_semaphore(%arg5 : memref<!tpu.dma_semaphore, #tpu.memory_space<semaphore_mem>>)
    %add3A_15 = arith.constant 1 : i32
    %add3A_16 = arith.addi %mul3A_4, %add3A_15 : i32
    %add3A_17 = arith.constant 1024 : i32
    %add3A_18 = arith.addi %add3A_17, %add3A_16 : i32
    %sub3A_19 = arith.constant 2047 : i32
    %sub3A_20 = arith.subi %sub3A_19, %add3A_18 : i32
    %dma_start3A_21 = arith.constant 0 : i32
    %dma_start3A_22 = arith.constant 0 : i32
    %dma_start3A_23 = tpu.memref_slice %arg3[%add3A_16, %dma_start3A_21, %dma_start3A_22] : memref<1024x2048x64xf32, #tpu.memory_space<hbm>> -> memref<1x2048x64xf32, #tpu.memory_space<hbm>>
    %dma_start3A_24 = tpu.memref_squeeze %dma_start3A_23 : memref<1x2048x64xf32, #tpu.memory_space<hbm>> -> memref<2048x64xf32, #tpu.memory_space<hbm>>
    %dma_start3A_25 = arith.constant 0 : i32
    %dma_start3A_26 = tpu.memref_slice %arg4[%sub3A_20, %dma_start3A_25] : memref<4095x64xf32, #tpu.memory_space<vmem_shared>> -> memref<2048x64xf32, #tpu.memory_space<vmem_shared>>
    tpu.enqueue_dma source(%dma_start3A_26 : memref<2048x64xf32, #tpu.memory_space<vmem_shared>>) target(%dma_start3A_24 : memref<2048x64xf32, #tpu.memory_space<hbm>>) target_semaphore(%arg5 : memref<!tpu.dma_semaphore, #tpu.memory_space<semaphore_mem>>)
    %add3A_27 = arith.constant 2 : i32
    %add3A_28 = arith.addi %mul3A_4, %add3A_27 : i32
    %add3A_29 = arith.constant 1024 : i32
    %add3A_30 = arith.addi %add3A_29, %add3A_28 : i32
    %sub3A_31 = arith.constant 2047 : i32
    %sub3A_32 = arith.subi %sub3A_31, %add3A_30 : i32
    %dma_start3A_33 = arith.constant 0 : i32
    %dma_start3A_34 = arith.constant 0 : i32
    %dma_start3A_35 = tpu.memref_slice %arg3[%add3A_28, %dma_start3A_33, %dma_start3A_34] : memref<1024x2048x64xf32, #tpu.memory_space<hbm>> -> memref<1x2048x64xf32, #tpu.memory_space<hbm>>
    %dma_start3A_36 = tpu.memref_squeeze %dma_start3A_35 : memref<1x2048x64xf32, #tpu.memory_space<hbm>> -> memref<2048x64xf32, #tpu.memory_space<hbm>>
    %dma_start3A_37 = arith.constant 0 : i32
    %dma_start3A_38 = tpu.memref_slice %arg4[%sub3A_32, %dma_start3A_37] : memref<4095x64xf32, #tpu.memory_space<vmem_shared>> -> memref<2048x64xf32, #tpu.memory_space<vmem_shared>>
    tpu.enqueue_dma source(%dma_start3A_38 : memref<2048x64xf32, #tpu.memory_space<vmem_shared>>) target(%dma_start3A_36 : memref<2048x64xf32, #tpu.memory_space<hbm>>) target_semaphore(%arg5 : memref<!tpu.dma_semaphore, #tpu.memory_space<semaphore_mem>>)
    %add3A_39 = arith.constant 3 : i32
    %add3A_40 = arith.addi %mul3A_4, %add3A_39 : i32
    %add3A_41 = arith.constant 1024 : i32
    %add3A_42 = arith.addi %add3A_41, %add3A_40 : i32
    %sub3A_43 = arith.constant 2047 : i32
    %sub3A_44 = arith.subi %sub3A_43, %add3A_42 : i32
    %dma_start3A_45 = arith.constant 0 : i32
    %dma_start3A_46 = arith.constant 0 : i32
    %dma_start3A_47 = tpu.memref_slice %arg3[%add3A_40, %dma_start3A_45, %dma_start3A_46] : memref<1024x2048x64xf32, #tpu.memory_space<hbm>> -> memref<1x2048x64xf32, #tpu.memory_space<hbm>>
    %dma_start3A_48 = tpu.memref_squeeze %dma_start3A_47 : memref<1x2048x64xf32, #tpu.memory_space<hbm>> -> memref<2048x64xf32, #tpu.memory_space<hbm>>
    %dma_start3A_49 = arith.constant 0 : i32
    %dma_start3A_50 = tpu.memref_slice %arg4[%sub3A_44, %dma_start3A_49] : memref<4095x64xf32, #tpu.memory_space<vmem_shared>> -> memref<2048x64xf32, #tpu.memory_space<vmem_shared>>
    tpu.enqueue_dma source(%dma_start3A_50 : memref<2048x64xf32, #tpu.memory_space<vmem_shared>>) target(%dma_start3A_48 : memref<2048x64xf32, #tpu.memory_space<hbm>>) target_semaphore(%arg5 : memref<!tpu.dma_semaphore, #tpu.memory_space<semaphore_mem>>)
    %add3A_51 = arith.constant 4 : i32
    %add3A_52 = arith.addi %mul3A_4, %add3A_51 : i32
    %add3A_53 = arith.constant 1024 : i32
    %add3A_54 = arith.addi %add3A_53, %add3A_52 : i32
    %sub3A_55 = arith.constant 2047 : i32
    %sub3A_56 = arith.subi %sub3A_55, %add3A_54 : i32
    %dma_start3A_57 = arith.constant 0 : i32
    %dma_start3A_58 = arith.constant 0 : i32
    %dma_start3A_59 = tpu.memref_slice %arg3[%add3A_52, %dma_start3A_57, %dma_start3A_58] : memref<1024x2048x64xf32, #tpu.memory_space<hbm>> -> memref<1x2048x64xf32, #tpu.memory_space<hbm>>
    %dma_start3A_60 = tpu.memref_squeeze %dma_start3A_59 : memref<1x2048x64xf32, #tpu.memory_space<hbm>> -> memref<2048x64xf32, #tpu.memory_space<hbm>>
    %dma_start3A_61 = arith.constant 0 : i32
    %dma_start3A_62 = tpu.memref_slice %arg4[%sub3A_56, %dma_start3A_61] : memref<4095x64xf32, #tpu.memory_space<vmem_shared>> -> memref<2048x64xf32, #tpu.memory_space<vmem_shared>>
    tpu.enqueue_dma source(%dma_start3A_62 : memref<2048x64xf32, #tpu.memory_space<vmem_shared>>) target(%dma_start3A_60 : memref<2048x64xf32, #tpu.memory_space<hbm>>) target_semaphore(%arg5 : memref<!tpu.dma_semaphore, #tpu.memory_space<semaphore_mem>>)
    %add3A_63 = arith.constant 5 : i32
    %add3A_64 = arith.addi %mul3A_4, %add3A_63 : i32
    %add3A_65 = arith.constant 1024 : i32
    %add3A_66 = arith.addi %add3A_65, %add3A_64 : i32
    %sub3A_67 = arith.constant 2047 : i32
    %sub3A_68 = arith.subi %sub3A_67, %add3A_66 : i32
    %dma_start3A_69 = arith.constant 0 : i32
    %dma_start3A_70 = arith.constant 0 : i32
    %dma_start3A_71 = tpu.memref_slice %arg3[%add3A_64, %dma_start3A_69, %dma_start3A_70] : memref<1024x2048x64xf32, #tpu.memory_space<hbm>> -> memref<1x2048x64xf32, #tpu.memory_space<hbm>>
    %dma_start3A_72 = tpu.memref_squeeze %dma_start3A_71 : memref<1x2048x64xf32, #tpu.memory_space<hbm>> -> memref<2048x64xf32, #tpu.memory_space<hbm>>
    %dma_start3A_73 = arith.constant 0 : i32
    %dma_start3A_74 = tpu.memref_slice %arg4[%sub3A_68, %dma_start3A_73] : memref<4095x64xf32, #tpu.memory_space<vmem_shared>> -> memref<2048x64xf32, #tpu.memory_space<vmem_shared>>
    tpu.enqueue_dma source(%dma_start3A_74 : memref<2048x64xf32, #tpu.memory_space<vmem_shared>>) target(%dma_start3A_72 : memref<2048x64xf32, #tpu.memory_space<hbm>>) target_semaphore(%arg5 : memref<!tpu.dma_semaphore, #tpu.memory_space<semaphore_mem>>)
    %add3A_75 = arith.constant 6 : i32
    %add3A_76 = arith.addi %mul3A_4, %add3A_75 : i32
    %add3A_77 = arith.constant 1024 : i32
    %add3A_78 = arith.addi %add3A_77, %add3A_76 : i32
    %sub3A_79 = arith.constant 2047 : i32
    %sub3A_80 = arith.subi %sub3A_79, %add3A_78 : i32
    %dma_start3A_81 = arith.constant 0 : i32
    %dma_start3A_82 = arith.constant 0 : i32
    %dma_start3A_83 = tpu.memref_slice %arg3[%add3A_76, %dma_start3A_81, %dma_start3A_82] : memref<1024x2048x64xf32, #tpu.memory_space<hbm>> -> memref<1x2048x64xf32, #tpu.memory_space<hbm>>
    %dma_start3A_84 = tpu.memref_squeeze %dma_start3A_83 : memref<1x2048x64xf32, #tpu.memory_space<hbm>> -> memref<2048x64xf32, #tpu.memory_space<hbm>>
    %dma_start3A_85 = arith.constant 0 : i32
    %dma_start3A_86 = tpu.memref_slice %arg4[%sub3A_80, %dma_start3A_85] : memref<4095x64xf32, #tpu.memory_space<vmem_shared>> -> memref<2048x64xf32, #tpu.memory_space<vmem_shared>>
    tpu.enqueue_dma source(%dma_start3A_86 : memref<2048x64xf32, #tpu.memory_space<vmem_shared>>) target(%dma_start3A_84 : memref<2048x64xf32, #tpu.memory_space<hbm>>) target_semaphore(%arg5 : memref<!tpu.dma_semaphore, #tpu.memory_space<semaphore_mem>>)
    %add3A_87 = arith.constant 7 : i32
    %add3A_88 = arith.addi %mul3A_4, %add3A_87 : i32
    %add3A_89 = arith.constant 1024 : i32
    %add3A_90 = arith.addi %add3A_89, %add3A_88 : i32
    %sub3A_91 = arith.constant 2047 : i32
    %sub3A_92 = arith.subi %sub3A_91, %add3A_90 : i32
    %dma_start3A_93 = arith.constant 0 : i32
    %dma_start3A_94 = arith.constant 0 : i32
    %dma_start3A_95 = tpu.memref_slice %arg3[%add3A_88, %dma_start3A_93, %dma_start3A_94] : memref<1024x2048x64xf32, #tpu.memory_space<hbm>> -> memref<1x2048x64xf32, #tpu.memory_space<hbm>>
    %dma_start3A_96 = tpu.memref_squeeze %dma_start3A_95 : memref<1x2048x64xf32, #tpu.memory_space<hbm>> -> memref<2048x64xf32, #tpu.memory_space<hbm>>
    %dma_start3A_97 = arith.constant 0 : i32
    %dma_start3A_98 = tpu.memref_slice %arg4[%sub3A_92, %dma_start3A_97] : memref<4095x64xf32, #tpu.memory_space<vmem_shared>> -> memref<2048x64xf32, #tpu.memory_space<vmem_shared>>
    tpu.enqueue_dma source(%dma_start3A_98 : memref<2048x64xf32, #tpu.memory_space<vmem_shared>>) target(%dma_start3A_96 : memref<2048x64xf32, #tpu.memory_space<hbm>>) target_semaphore(%arg5 : memref<!tpu.dma_semaphore, #tpu.memory_space<semaphore_mem>>)
    %scan3A = arith.constant 0 : i32
    %scan3A_99 = arith.constant 24 : i32
    %scan3A_100 = arith.addi %scan3A, %scan3A_99 : i32
    %scan3A_101 = arith.constant 1 : i32
    scf.for %scan3A_108 = %scan3A to %scan3A_100 step %scan3A_101  : i32 {
      %mul3A_109 = arith.constant 1 : i32
      %mul3A_110 = arith.muli %scan3A_108, %mul3A_109 : i32
      %add3A_111 = arith.constant 0 : i32
      %add3A_112 = arith.addi %add3A_111, %mul3A_110 : i32
      %add3A_113 = arith.addi %mul3A_4, %add3A_112 : i32
      %add3A_114 = arith.constant 1024 : i32
      %add3A_115 = arith.addi %add3A_114, %add3A_113 : i32
      %sub3A_116 = arith.constant 2047 : i32
      %sub3A_117 = arith.subi %sub3A_116, %add3A_115 : i32
      %dma_wait3A = arith.constant 0 : i32
      %dma_wait3A_118 = arith.constant 0 : i32
      %dma_wait3A_119 = tpu.memref_slice %arg3[%add3A_113, %dma_wait3A, %dma_wait3A_118] : memref<1024x2048x64xf32, #tpu.memory_space<hbm>> -> memref<1x2048x64xf32, #tpu.memory_space<hbm>>
      %dma_wait3A_120 = tpu.memref_squeeze %dma_wait3A_119 : memref<1x2048x64xf32, #tpu.memory_space<hbm>> -> memref<2048x64xf32, #tpu.memory_space<hbm>>
      %dma_wait3A_121 = arith.constant 0 : i32
      %dma_wait3A_122 = tpu.memref_slice %arg4[%sub3A_117, %dma_wait3A_121] : memref<4095x64xf32, #tpu.memory_space<vmem_shared>> -> memref<2048x64xf32, #tpu.memory_space<vmem_shared>>
      tpu.wait_dma2 semaphore(%arg5 : memref<!tpu.dma_semaphore, #tpu.memory_space<semaphore_mem>>) src(%dma_wait3A_122 : memref<2048x64xf32, #tpu.memory_space<vmem_shared>>) dst(%dma_wait3A_120 : memref<2048x64xf32, #tpu.memory_space<hbm>>)
      %add3A_123 = arith.addi %mul3A_4, %add3A_112 : i32
      %add3A_124 = arith.constant 8 : i32
      %add3A_125 = arith.addi %add3A_123, %add3A_124 : i32
      %add3A_126 = arith.constant 1024 : i32
      %add3A_127 = arith.addi %add3A_126, %add3A_125 : i32
      %sub3A_128 = arith.constant 2047 : i32
      %sub3A_129 = arith.subi %sub3A_128, %add3A_127 : i32
      %dma_start3A_130 = arith.constant 0 : i32
      %dma_start3A_131 = arith.constant 0 : i32
      %dma_start3A_132 = tpu.memref_slice %arg3[%add3A_125, %dma_start3A_130, %dma_start3A_131] : memref<1024x2048x64xf32, #tpu.memory_space<hbm>> -> memref<1x2048x64xf32, #tpu.memory_space<hbm>>
      %dma_start3A_133 = tpu.memref_squeeze %dma_start3A_132 : memref<1x2048x64xf32, #tpu.memory_space<hbm>> -> memref<2048x64xf32, #tpu.memory_space<hbm>>
      %dma_start3A_134 = arith.constant 0 : i32
      %dma_start3A_135 = tpu.memref_slice %arg4[%sub3A_129, %dma_start3A_134] : memref<4095x64xf32, #tpu.memory_space<vmem_shared>> -> memref<2048x64xf32, #tpu.memory_space<vmem_shared>>
      tpu.enqueue_dma source(%dma_start3A_135 : memref<2048x64xf32, #tpu.memory_space<vmem_shared>>) target(%dma_start3A_133 : memref<2048x64xf32, #tpu.memory_space<hbm>>) target_semaphore(%arg5 : memref<!tpu.dma_semaphore, #tpu.memory_space<semaphore_mem>>)
    }
    %scan3A_102 = arith.constant 24 : i32
    %scan3A_103 = arith.constant 0 : i32
    %scan3A_104 = arith.constant 8 : i32
    %scan3A_105 = arith.addi %scan3A_103, %scan3A_104 : i32
    %scan3A_106 = arith.constant 1 : i32
    scf.for %scan3A_108 = %scan3A_103 to %scan3A_105 step %scan3A_106  : i32 {
      %mul3A_109 = arith.constant 1 : i32
      %mul3A_110 = arith.muli %scan3A_108, %mul3A_109 : i32
      %add3A_111 = arith.constant 0 : i32
      %add3A_112 = arith.addi %add3A_111, %mul3A_110 : i32
      %add3A_113 = arith.constant 32 : i32
      %add3A_114 = arith.addi %mul3A_4, %add3A_113 : i32
      %sub3A_115 = arith.constant 8 : i32
      %sub3A_116 = arith.subi %add3A_114, %sub3A_115 : i32
      %add3A_117 = arith.addi %sub3A_116, %add3A_112 : i32
      %add3A_118 = arith.constant 1024 : i32
      %add3A_119 = arith.addi %add3A_118, %add3A_117 : i32
      %sub3A_120 = arith.constant 2047 : i32
      %sub3A_121 = arith.subi %sub3A_120, %add3A_119 : i32
      %dma_wait3A = arith.constant 0 : i32
      %dma_wait3A_122 = arith.constant 0 : i32
      %dma_wait3A_123 = tpu.memref_slice %arg3[%add3A_117, %dma_wait3A, %dma_wait3A_122] : memref<1024x2048x64xf32, #tpu.memory_space<hbm>> -> memref<1x2048x64xf32, #tpu.memory_space<hbm>>
      %dma_wait3A_124 = tpu.memref_squeeze %dma_wait3A_123 : memref<1x2048x64xf32, #tpu.memory_space<hbm>> -> memref<2048x64xf32, #tpu.memory_space<hbm>>
      %dma_wait3A_125 = arith.constant 0 : i32
      %dma_wait3A_126 = tpu.memref_slice %arg4[%sub3A_121, %dma_wait3A_125] : memref<4095x64xf32, #tpu.memory_space<vmem_shared>> -> memref<2048x64xf32, #tpu.memory_space<vmem_shared>>
      tpu.wait_dma2 semaphore(%arg5 : memref<!tpu.dma_semaphore, #tpu.memory_space<semaphore_mem>>) src(%dma_wait3A_126 : memref<2048x64xf32, #tpu.memory_space<vmem_shared>>) dst(%dma_wait3A_124 : memref<2048x64xf32, #tpu.memory_space<hbm>>)
    }
    %scan3A_107 = arith.constant 8 : i32
    return
  }
}

module attributes {stable_mosaic.version = 14 : i64} {
  func.func @body(%arg0: i32, %arg1: memref<4096x64xf32, #tpu.memory_space<vmem>>, %arg2: memref<8x2048x64xf32, #tpu.memory_space<vmem>>) attributes {dimension_semantics = [#tpu.dimension_semantics<arbitrary>], iteration_bounds = array<i64: 128>, scalar_prefetch = 0 : i64, scratch_operands = 0 : i64, tpu.core_type = #tpu.core_type<tc>, window_params = [{pipeline_mode = #tpu.pipeline_mode<synchronous>, transform_indices = @transform_0, window_bounds = array<i64: 4096, 64>}, {transform_indices = @transform_1, window_bounds = array<i64: 8, 2048, 64>}]} {
    %mul3A = arith.constant 8 : i32
    %mul3A_0 = arith.muli %arg0, %mul3A : i32
    %add3A = arith.constant 0 : i32
    %add3A_1 = arith.addi %mul3A_0, %add3A : i32
    %sub3A = arith.constant 2047 : i32
    %sub3A_2 = arith.subi %sub3A, %add3A_1 : i32
    %get3A = arith.index_cast %sub3A_2 : i32 to index
    %get3A_3 = arith.constant 0 : index
    %get3A_4 = vector.load %arg1[%get3A, %get3A_3] : memref<4096x64xf32, #tpu.memory_space<vmem>>, vector<2048x64xf32>
    %swap3A = arith.constant 0 : index
    %swap3A_5 = arith.constant 0 : index
    %swap3A_6 = arith.constant 0 : index
    %swap3A_7 = vector.load %arg2[%swap3A, %swap3A_5, %swap3A_6] : memref<8x2048x64xf32, #tpu.memory_space<vmem>>, vector<1x2048x64xf32>
    %swap3A_8 = vector.shape_cast %swap3A_7 : vector<1x2048x64xf32> to vector<2048x64xf32>
    %swap3A_9 = vector.shape_cast %get3A_4 : vector<2048x64xf32> to vector<1x2048x64xf32>
    tpu.vector_store %arg2[%swap3A, %swap3A_5, %swap3A_6], %swap3A_9 {strides = array<i32>} : memref<8x2048x64xf32, #tpu.memory_space<vmem>>, vector<1x2048x64xf32>,
    %mul3A_10 = arith.constant 8 : i32
    %mul3A_11 = arith.muli %arg0, %mul3A_10 : i32
    %add3A_12 = arith.constant 1 : i32
    %add3A_13 = arith.addi %mul3A_11, %add3A_12 : i32
    %sub3A_14 = arith.constant 2047 : i32
    %sub3A_15 = arith.subi %sub3A_14, %add3A_13 : i32
    %get3A_16 = arith.index_cast %sub3A_15 : i32 to index
    %get3A_17 = arith.constant 0 : index
    %get3A_18 = vector.load %arg1[%get3A_16, %get3A_17] : memref<4096x64xf32, #tpu.memory_space<vmem>>, vector<2048x64xf32>
    %swap3A_19 = arith.constant 1 : index
    %swap3A_20 = arith.constant 0 : index
    %swap3A_21 = arith.constant 0 : index
    %swap3A_22 = vector.load %arg2[%swap3A_19, %swap3A_20, %swap3A_21] : memref<8x2048x64xf32, #tpu.memory_space<vmem>>, vector<1x2048x64xf32>
    %swap3A_23 = vector.shape_cast %swap3A_22 : vector<1x2048x64xf32> to vector<2048x64xf32>
    %swap3A_24 = vector.shape_cast %get3A_18 : vector<2048x64xf32> to vector<1x2048x64xf32>
    tpu.vector_store %arg2[%swap3A_19, %swap3A_20, %swap3A_21], %swap3A_24 {strides = array<i32>} : memref<8x2048x64xf32, #tpu.memory_space<vmem>>, vector<1x2048x64xf32>,
    %mul3A_25 = arith.constant 8 : i32
    %mul3A_26 = arith.muli %arg0, %mul3A_25 : i32
    %add3A_27 = arith.constant 2 : i32
    %add3A_28 = arith.addi %mul3A_26, %add3A_27 : i32
    %sub3A_29 = arith.constant 2047 : i32
    %sub3A_30 = arith.subi %sub3A_29, %add3A_28 : i32
    %get3A_31 = arith.index_cast %sub3A_30 : i32 to index
    %get3A_32 = arith.constant 0 : index
    %get3A_33 = vector.load %arg1[%get3A_31, %get3A_32] : memref<4096x64xf32, #tpu.memory_space<vmem>>, vector<2048x64xf32>
    %swap3A_34 = arith.constant 2 : index
    %swap3A_35 = arith.constant 0 : index
    %swap3A_36 = arith.constant 0 : index
    %swap3A_37 = vector.load %arg2[%swap3A_34, %swap3A_35, %swap3A_36] : memref<8x2048x64xf32, #tpu.memory_space<vmem>>, vector<1x2048x64xf32>
    %swap3A_38 = vector.shape_cast %swap3A_37 : vector<1x2048x64xf32> to vector<2048x64xf32>
    %swap3A_39 = vector.shape_cast %get3A_33 : vector<2048x64xf32> to vector<1x2048x64xf32>
    tpu.vector_store %arg2[%swap3A_34, %swap3A_35, %swap3A_36], %swap3A_39 {strides = array<i32>} : memref<8x2048x64xf32, #tpu.memory_space<vmem>>, vector<1x2048x64xf32>,
    %mul3A_40 = arith.constant 8 : i32
    %mul3A_41 = arith.muli %arg0, %mul3A_40 : i32
    %add3A_42 = arith.constant 3 : i32
    %add3A_43 = arith.addi %mul3A_41, %add3A_42 : i32
    %sub3A_44 = arith.constant 2047 : i32
    %sub3A_45 = arith.subi %sub3A_44, %add3A_43 : i32
    %get3A_46 = arith.index_cast %sub3A_45 : i32 to index
    %get3A_47 = arith.constant 0 : index
    %get3A_48 = vector.load %arg1[%get3A_46, %get3A_47] : memref<4096x64xf32, #tpu.memory_space<vmem>>, vector<2048x64xf32>
    %swap3A_49 = arith.constant 3 : index
    %swap3A_50 = arith.constant 0 : index
    %swap3A_51 = arith.constant 0 : index
    %swap3A_52 = vector.load %arg2[%swap3A_49, %swap3A_50, %swap3A_51] : memref<8x2048x64xf32, #tpu.memory_space<vmem>>, vector<1x2048x64xf32>
    %swap3A_53 = vector.shape_cast %swap3A_52 : vector<1x2048x64xf32> to vector<2048x64xf32>
    %swap3A_54 = vector.shape_cast %get3A_48 : vector<2048x64xf32> to vector<1x2048x64xf32>
    tpu.vector_store %arg2[%swap3A_49, %swap3A_50, %swap3A_51], %swap3A_54 {strides = array<i32>} : memref<8x2048x64xf32, #tpu.memory_space<vmem>>, vector<1x2048x64xf32>,
    %mul3A_55 = arith.constant 8 : i32
    %mul3A_56 = arith.muli %arg0, %mul3A_55 : i32
    %add3A_57 = arith.constant 4 : i32
    %add3A_58 = arith.addi %mul3A_56, %add3A_57 : i32
    %sub3A_59 = arith.constant 2047 : i32
    %sub3A_60 = arith.subi %sub3A_59, %add3A_58 : i32
    %get3A_61 = arith.index_cast %sub3A_60 : i32 to index
    %get3A_62 = arith.constant 0 : index
    %get3A_63 = vector.load %arg1[%get3A_61, %get3A_62] : memref<4096x64xf32, #tpu.memory_space<vmem>>, vector<2048x64xf32>
    %swap3A_64 = arith.constant 4 : index
    %swap3A_65 = arith.constant 0 : index
    %swap3A_66 = arith.constant 0 : index
    %swap3A_67 = vector.load %arg2[%swap3A_64, %swap3A_65, %swap3A_66] : memref<8x2048x64xf32, #tpu.memory_space<vmem>>, vector<1x2048x64xf32>
    %swap3A_68 = vector.shape_cast %swap3A_67 : vector<1x2048x64xf32> to vector<2048x64xf32>
    %swap3A_69 = vector.shape_cast %get3A_63 : vector<2048x64xf32> to vector<1x2048x64xf32>
    tpu.vector_store %arg2[%swap3A_64, %swap3A_65, %swap3A_66], %swap3A_69 {strides = array<i32>} : memref<8x2048x64xf32, #tpu.memory_space<vmem>>, vector<1x2048x64xf32>,
    %mul3A_70 = arith.constant 8 : i32
    %mul3A_71 = arith.muli %arg0, %mul3A_70 : i32
    %add3A_72 = arith.constant 5 : i32
    %add3A_73 = arith.addi %mul3A_71, %add3A_72 : i32
    %sub3A_74 = arith.constant 2047 : i32
    %sub3A_75 = arith.subi %sub3A_74, %add3A_73 : i32
    %get3A_76 = arith.index_cast %sub3A_75 : i32 to index
    %get3A_77 = arith.constant 0 : index
    %get3A_78 = vector.load %arg1[%get3A_76, %get3A_77] : memref<4096x64xf32, #tpu.memory_space<vmem>>, vector<2048x64xf32>
    %swap3A_79 = arith.constant 5 : index
    %swap3A_80 = arith.constant 0 : index
    %swap3A_81 = arith.constant 0 : index
    %swap3A_82 = vector.load %arg2[%swap3A_79, %swap3A_80, %swap3A_81] : memref<8x2048x64xf32, #tpu.memory_space<vmem>>, vector<1x2048x64xf32>
    %swap3A_83 = vector.shape_cast %swap3A_82 : vector<1x2048x64xf32> to vector<2048x64xf32>
    %swap3A_84 = vector.shape_cast %get3A_78 : vector<2048x64xf32> to vector<1x2048x64xf32>
    tpu.vector_store %arg2[%swap3A_79, %swap3A_80, %swap3A_81], %swap3A_84 {strides = array<i32>} : memref<8x2048x64xf32, #tpu.memory_space<vmem>>, vector<1x2048x64xf32>,
    %mul3A_85 = arith.constant 8 : i32
    %mul3A_86 = arith.muli %arg0, %mul3A_85 : i32
    %add3A_87 = arith.constant 6 : i32
    %add3A_88 = arith.addi %mul3A_86, %add3A_87 : i32
    %sub3A_89 = arith.constant 2047 : i32
    %sub3A_90 = arith.subi %sub3A_89, %add3A_88 : i32
    %get3A_91 = arith.index_cast %sub3A_90 : i32 to index
    %get3A_92 = arith.constant 0 : index
    %get3A_93 = vector.load %arg1[%get3A_91, %get3A_92] : memref<4096x64xf32, #tpu.memory_space<vmem>>, vector<2048x64xf32>
    %swap3A_94 = arith.constant 6 : index
    %swap3A_95 = arith.constant 0 : index
    %swap3A_96 = arith.constant 0 : index
    %swap3A_97 = vector.load %arg2[%swap3A_94, %swap3A_95, %swap3A_96] : memref<8x2048x64xf32, #tpu.memory_space<vmem>>, vector<1x2048x64xf32>
    %swap3A_98 = vector.shape_cast %swap3A_97 : vector<1x2048x64xf32> to vector<2048x64xf32>
    %swap3A_99 = vector.shape_cast %get3A_93 : vector<2048x64xf32> to vector<1x2048x64xf32>
    tpu.vector_store %arg2[%swap3A_94, %swap3A_95, %swap3A_96], %swap3A_99 {strides = array<i32>} : memref<8x2048x64xf32, #tpu.memory_space<vmem>>, vector<1x2048x64xf32>,
    %mul3A_100 = arith.constant 8 : i32
    %mul3A_101 = arith.muli %arg0, %mul3A_100 : i32
    %add3A_102 = arith.constant 7 : i32
    %add3A_103 = arith.addi %mul3A_101, %add3A_102 : i32
    %sub3A_104 = arith.constant 2047 : i32
    %sub3A_105 = arith.subi %sub3A_104, %add3A_103 : i32
    %get3A_106 = arith.index_cast %sub3A_105 : i32 to index
    %get3A_107 = arith.constant 0 : index
    %get3A_108 = vector.load %arg1[%get3A_106, %get3A_107] : memref<4096x64xf32, #tpu.memory_space<vmem>>, vector<2048x64xf32>
    %swap3A_109 = arith.constant 7 : index
    %swap3A_110 = arith.constant 0 : index
    %swap3A_111 = arith.constant 0 : index
    %swap3A_112 = vector.load %arg2[%swap3A_109, %swap3A_110, %swap3A_111] : memref<8x2048x64xf32, #tpu.memory_space<vmem>>, vector<1x2048x64xf32>
    %swap3A_113 = vector.shape_cast %swap3A_112 : vector<1x2048x64xf32> to vector<2048x64xf32>
    %swap3A_114 = vector.shape_cast %get3A_108 : vector<2048x64xf32> to vector<1x2048x64xf32>
    tpu.vector_store %arg2[%swap3A_109, %swap3A_110, %swap3A_111], %swap3A_114 {strides = array<i32>} : memref<8x2048x64xf32, #tpu.memory_space<vmem>>, vector<1x2048x64xf32>,
    return
  }
  func.func @transform_0(%arg0: i32) -> (i32, i32) {
    %c0_i32 = arith.constant 0 : i32
    %c0_i32_0 = arith.constant 0 : i32
    %c0_i32_1 = arith.constant 0 : i32
    return %c0_i32, %c0_i32_0 : i32, i32
  }
  func.func @transform_1(%arg0: i32) -> (i32, i32, i32) {
    %c0_i32 = arith.constant 0 : i32
    %c0_i32_0 = arith.constant 0 : i32
    %c0_i32_1 = arith.constant 0 : i32
    return %arg0, %c0_i32, %c0_i32_0 : i32, i32, i32
  }
}

</mosaic_0001>

<sc_bundles>
// kernel: kernel.4.cloned.1.call-start
scs
__scs_entry_jumppad:
0x0: {  	(pc) =	sbr.rel $0x88, $3  }
0x1: {  	(tag) =	ssettag $0x0;
	lr =	simm.s32 $0x1  }
0x2: {  	[smem:$0x3FA0] =	sst lr;
	_ =	strace $0xD0000000  }
0x3: {  	_ = 	snop  }
0x4: {  	_ = 	snop  }
0x5: {  	_ = 	snop  }
0x6: {  	_ = 	snop  }
0x7: {  	_ = 	snop  }
__scs_overlays_trampoline_lowered:
0x8: {  	[smem:$0x3FAF] =	sst s0  }
0x9: {  	[smem:$0x3FB0] =	sst s1  }
0xa: {  	[smem:$0x3FB1] =	sst s2  }
0xb: {  	[smem:$0x3FB2] =	sst s3  }
0xc: {  	[smem:$0x3FB3] =	sst s4  }
0xd: {  	[smem:$0x3FB4] =	sst s5  }
0xe: {  	[smem:$0x3FB5] =	sst s6  }
0xf: {  	[smem:$0x3FB6] =	sst s7  }
0x10: {  	[smem:$0x3FB7] =	sst s8  }
0x11: {  	[smem:$0x3FB8] =	sst s9;
	s0 =	simm.s32 @!p0 $0x0  }
0x12: {  	s1 =	sld [smem:$0x3F9E];
	s0 =	simm.s32 @p0 $0x1  }
0x13: {  	[smem:$0x3FB9] =	sst s0;
	s0 =	simm.s32 @!p1 $0x0  }
0x14: {  	s2 =	sld [smem:$0x3F9D];
	s0 =	simm.s32 @p1 $0x1  }
0x15: {  	[smem:$0x3FBA] =	sst s0;
	s0 =	simm.s32 @!p2 $0x0  }
0x16: {  	s3 =	sld [smem:$0x3FDB];
	s0 =	simm.s32 @p2 $0x1  }
0x17: {  	s4 =	simm.s32 $0x1BF5;
	[smem:$0x3FBC] =	sst s0  }
0x18: {  	s0 =	sld [smem:$0x3F9F];
	_ =	swait.ge [sflag:s4], $0x0  }
0x19: {  	s7 =	sld [smem:$0x3FA0]  }
0x1a: {  	s8 =	sadd.s32 $0xFFFFE003, lr  }
0x1b: {  	s9 =	sadd.s32 $0xFFFFFEF7, lr;
	s5 =	simm.s32 $0xFFFFFFFF;
	p2 =	slt.u32 s8, $0xFFFFF086  }
0x1c: {  	p1 =	slt.u32 s9, $0xF7A;
	s5 =	simm.s32 @!p2 $0x0  }
0x1d: {  	s5 =	simm.s32 @p1 $0x1;
	p0 =	seq.s32 s7, s2  }
0x1e: {  	s7 =	smul.u32 @!p0 $0xF7A, s2;
	p2 =	seq.s32 @!p0 s5, $0x0  }
0x1f: {  	s9 =	smul.u32 $0xF7A, s1;
	s8 =	simm.s32 @!p0 $0x1BF5;
	p2 =	por !p2, p0  }
0x20: {  	[sflag:s8] =	ssyncset.s32 @!p0 $0xFFFFF086;
	s6 =	sadd.s32 @!p0 s3, s7;
	s7 =	simm.s32 @!p0 $0x108  }
0x21: {  	s3 =	sadd.s32 s3, s9;
	s6 =	sadd.s32 @!p0 $0x88, s6;
	s7 =	simm.s32 @p2 $0x1082  }
0x22: {  	[simem:s7], [sflag:s8] =	dma.local @!p0 [hbm:s6], $0xF7A  }
0x23: {  	s9 =	sor.u32 $0xD0000000, s2;
	s6 =	simm.s32 $0x108;
	_ =	swait.ge @!p0 [sflag:s8], $0x0  }
0x24: {  	s3 =	sadd.s32 $0x88, s3;
	s6 =	simm.s32 @!p1 $0x1082;
	[sflag:s4] =	ssyncset.s32 $0xFFFFF086  }
0x25: {  	[simem:s6], [sflag:s4] =	dma.local [hbm:s3], $0xF7A  }
0x26: {  	[smem:$0x3FA0] =	sst s1;
	(tag) =	ssettag s2;
	_ =	strace s9  }
0x27: {  	s1 =	sld [smem:$0x3FB0]  }
0x28: {  	s2 =	sld [smem:$0x3FB1]  }
0x29: {  	s4 =	sld [smem:$0x3FB3]  }
0x2a: {  	p0 =	seq.s32 s5, $0x0;
	s5 =	sld [smem:$0x3FB4]  }
0x2b: {  	s6 =	sld [smem:$0x3FB5]  }
0x2c: {  	s7 =	sld [smem:$0x3FB6]  }
0x2d: {  	s3 =	simm.s32 $0x108;
	s8 =	sld [smem:$0x3FB7]  }
0x2e: {  	s3 =	simm.s32 @!p0 $0x1082;
	s9 =	sld [smem:$0x3FB8]  }
0x2f: {  	lr =	sadd.s32 s0, s3;
	s0 =	sld [smem:$0x3FAF]  }
0x30: {  	s3 =	sld [smem:$0x3FB2]  }
0x31: {  	[smem:$0x3FBB] =	sst s10  }
0x32: {  	s10 =	sld [smem:$0x3FB9];
	_ =	sdelay $0x3  }
0x33: {  	p0 =	seq.s32 s10, $0x1;
	s10 =	sld [smem:$0x3FBB];
	_ =	sdelay $0x3  }
0x34: {  	[smem:$0x3FBB] =	sst s10  }
0x35: {  	s10 =	sld [smem:$0x3FBA];
	_ =	sdelay $0x3  }
0x36: {  	p1 =	seq.s32 s10, $0x1;
	s10 =	sld [smem:$0x3FBB];
	_ =	sdelay $0x3  }
0x37: {  	[smem:$0x3FBB] =	sst s10  }
0x38: {  	s10 =	sld [smem:$0x3FBC]  }
0x39: {  	_ = 	snop;
	(pc) =	sbr.ind lr, $3  }
0x3a: {  	_ = 	snop  }
0x3b: {  	_ = 	snop  }
0x3c: {  	p2 =	seq.s32 s10, $0x1;
	s10 =	sld [smem:$0x3FBB]  }
0x3d: {  	_ =	shalt  }
0x3e: {  	_ =	shalt  }
0x3f: {  	_ =	shalt  }
0x40: {  	_ =	shalt  }
0x41: {  	_ =	shalt  }
0x42: {  	_ =	shalt  }
0x43: {  	_ =	shalt  }
0x44: {  	_ =	shalt  }
0x45: {  	_ =	shalt  }
0x46: {  	_ =	shalt  }
0x47: {  	_ =	shalt  }
0x48: {  	_ =	shalt  }
0x49: {  	_ =	shalt  }
0x4a: {  	_ =	shalt  }
0x4b: {  	_ =	shalt  }
0x4c: {  	_ =	shalt  }
0x4d: {  	_ =	shalt  }
0x4e: {  	_ =	shalt  }
0x4f: {  	_ =	shalt  }
0x50: {  	_ =	shalt  }
0x51: {  	_ =	shalt  }
0x52: {  	_ =	shalt  }
0x53: {  	_ =	shalt  }
0x54: {  	_ =	shalt  }
0x55: {  	_ =	shalt  }
0x56: {  	_ =	shalt  }
0x57: {  	_ =	shalt  }
0x58: {  	_ =	shalt  }
0x59: {  	_ =	shalt  }
0x5a: {  	_ =	shalt  }
0x5b: {  	_ =	shalt  }
0x5c: {  	_ =	shalt  }
0x5d: {  	_ =	shalt  }
0x5e: {  	_ =	shalt  }
0x5f: {  	_ =	shalt  }
0x60: {  	_ =	shalt  }
0x61: {  	_ =	shalt  }
0x62: {  	_ =	shalt  }
0x63: {  	_ =	shalt  }
0x64: {  	_ =	shalt  }
0x65: {  	_ =	shalt  }
0x66: {  	_ =	shalt  }
0x67: {  	_ =	shalt  }
0x68: {  	_ =	shalt  }
0x69: {  	_ =	shalt  }
0x6a: {  	_ =	shalt  }
0x6b: {  	_ =	shalt  }
0x6c: {  	_ =	shalt  }
0x6d: {  	_ =	shalt  }
0x6e: {  	_ =	shalt  }
0x6f: {  	_ =	shalt  }
0x70: {  	_ =	shalt  }
0x71: {  	_ =	shalt  }
0x72: {  	_ =	shalt  }
0x73: {  	_ =	shalt  }
0x74: {  	_ =	shalt  }
0x75: {  	_ =	shalt  }
0x76: {  	_ =	shalt  }
0x77: {  	_ =	shalt  }
0x78: {  	_ =	shalt  }
0x79: {  	_ =	shalt  }
0x7a: {  	_ =	shalt  }
0x7b: {  	_ =	shalt  }
0x7c: {  	_ =	shalt  }
0x7d: {  	_ =	shalt  }
0x7e: {  	_ =	shalt  }
0x7f: {  	_ =	shalt  }
0x80: {  	_ =	shalt  }
0x81: {  	_ =	shalt  }
0x82: {  	_ =	shalt  }
0x83: {  	_ =	shalt  }
0x84: {  	_ =	shalt  }
0x85: {  	_ =	shalt  }
0x86: {  	_ =	shalt  }
0x87: {  	_ =	shalt  }
.Lfunc_end0:
.L_simem_size_0:
called_computation.1_lowered:
.L_overlay_start_0:
0x88: {  	s2 =	sld [smem:$0x3FD9]  }
0x89: {  	s3 =	sld [smem:$0x3FFE];
	_ =	sdelay $0x1  }
0x8a: {  	s1 =	srdreg.scid  }
0x8b: {  	s0 =	sand.u32 $0x1, s1  }
0x8c: {  	s16 =	sshll.u32 s0, $0xA;
	s2 =	sadd.s32 s3, s2  }
0x8d: {  	s2 =	sadd.s32 s2, s16  }
0x8e: {  	[smem:$0x3FC7] =	sst s2  }
0x8f: {  	_ = 	snop  }
0x90: {  	(tm) =	ssettm $0x1  }
0x91: {  	s17 =	sld [smem:$0x3FFB];
	_ =	sdelay $0x3  }
0x92: {  	_ =	strace s17  }
0x93: {  	s2 =	sld [smem:$0x3FFC];
	_ =	sdelay $0x3  }
0x94: {  	_ =	strace s2  }
0x95: {  	s2 =	sld [smem:$0x3FFD];
	_ =	sdelay $0x3  }
0x96: {  	_ =	strace s2  }
0x97: {  	_ =	strace $0x8FFFFFFF  }
0x98: {  	s18 =	sld [smem:$0x3FDB];
	_ =	sdelay $0x1  }
0x99: {  	s19 =	simm.s32 $_scs_section_size  }
0x9a: {  	s4 =	simm.s32 $_size__tile_overlayer_lowered;
	s5 =	simm.s32 $_tile_overlayer_lowered  }
0x9b: {  	s22 =	simm.s32 $0x1BFF;
	s21 =	sshll.u32 s5, $0x1;
	s2 =	sadd.s32 s19, s18  }
0x9c: {  	s6 =	simm.s32 $0x0;
	s20 =	sshll.u32 s4, $0x1;
	s4 =	sadd.s32 s21, s2  }
0x9d: {  	[timem:s6], [sflag:s22] =	dma.local [hbm:s4], s20  }
0x9e: {  	_ =	swait.ge [sflag:s22], s20  }
0x9f: {  	s3 =	ssub.s32 $0x0, s20;
	[sflag:s22] =	ssyncset.done $0x0  }
0xa0: {  	[sflag:s22] =	ssyncadd.s32 s3;
	_ =	sdelay $0x1  }
0xa1: {  	s23 =	simm.s32 $0x1B8B  }
0xa2: {  	_ =	swait.ge [sflag:s23], $0x1  }
0xa3: {  	[sflag:s23] =	ssyncset.done $0x0  }
0xa4: {  	s25 =	simm.s32 $0x1B8E;
	s24 =	sld [smem:$0x3FFE];
	[sflag:s23] =	ssyncadd.s32 $0xFFFFFFFF  }
0xa5: {  	s26 =	simm.s32 $execute0_lowered;
	[smem:$0x3FD2] =	sst s25  }
0xa6: {  	s4 =	sshll.u32 s26, $0x1;
	_ =	strace $0x80000046;
	[dreg:$0x1] =	wrdreg $0xFFFFFFFF  }
0xa7: {  	s28 =	simm.s32 $_size_execute0_lowered;
	s2 =	sadd.s32 s2, s4;
	[dreg:$0x0] =	wrdreg $0x0  }
0xa8: {  	s4 =	sshll.u32 s28, $0x1;
	[dreg:$0x2] =	wrdreg s2  }
0xa9: {  	[dreg:$0x3] =	wrdreg s4  }
0xaa: {  	[dreg:$0x4] =	wrdreg $0xC0  }
0xab: {  	_ =	task [dreg:s6], $0x5FFFF  }
0xac: {  	[dreg:$0x1] =	wrdreg $0xFFFFFFFF  }
0xad: {  	[dreg:$0x0] =	wrdreg $0x60  }
0xae: {  	[dreg:$0x2] =	wrdreg s24  }
0xaf: {  	[dreg:$0x3] =	wrdreg $0x0  }
0xb0: {  	[dreg:$0x4] =	wrdreg $0x9  }
0xb1: {  	_ =	task.clear_ibuf [dreg:s6], $0x5FFFF;
	_ =	strace $0x90000046  }
0xb2: {  	s29 =	simm.s32 $0x9;
	_ =	strace $0x80000048  }
0xb3: {  	_ =	swait.ge [sflag:s29], $0x1  }
0xb4: {  	[sflag:s29] =	ssyncadd.s32 $0xFFFFFFFF  }
0xb5: {  	_ =	strace $0x90000048  }
0xb6: {  	_ =	sfence  }
0xb7: {  	s30 =	sld [smem:$0x0];
	_ =	sdelay $0x2  }
0xb8: {  	s31 =	sshll.u32 s1, $0xD;
	s1 =	sshrl.u32 s1, $0x2  }
0xb9: {  	s3 =	sand.u32 $0x4000, s31;
	s1 =	sadd.s32 s1, s30  }
0xba: {  	s0 =	sor.u32 s3, s0;
	s1 =	sshll.u32 s1, $0x11  }
0xbb: {  	s0 =	sor.u32 s1, s0  }
0xbc: {  	s0 =	sadd.s32 $0x8F2B, s0  }
0xbd: {  	[sflag:s0] =	ssyncadd.remote.s32 $0x1  }
0xbe: {  	_ =	sfence.sel $0xFFFF  }
0xbf: {  	[dreg:$0x0] =	wrdreg $0xFFFFFFFF;
	(pc) =	sbr.abs _section_cstart, $3  }
0xc0: {  	[dreg:$0x1] =	wrdreg $0xFFFFFFFF  }
0xc1: {  	_ =	task.clear_ibuf [dreg:s6], $0x2FFFF;
	_ =	strace $0x9FFFFFFF  }
0xc2: {  	(tm) =	ssettm $0x7FFFFFFF  }
0xc3: {  	_ =	shalt  }
tec
execute0_lowered:
.L_overlay_start_1:
0x0: {  	(tag) =	ssettag $0x1  }
0x1: {  	s4 =	rddreg [dreg:$0x0]  }
0x2: {  	s15 =	rddreg [dreg:$0x1]  }
0x3: {  	s0 =	rddreg [dreg:$0x2];
	s1 =	simm.s32 $0x0;
	s3 =	srdreg.scid  }
0x4: {  	s2 =	stileid.u32;
	[smem:$0x7FF] =	sst s1;
	s13 =	sand.u32 $0x1, s3  }
0x5: {  	s6 =	sshll.u32 s2, $0x5;
	s3 =	sadd.s32 $0xA00, s4;
	s14 =	sadd.s32 $0x10A00, s4  }
0x6: {  	s11 =	sshll.u32 s2, $0xE;
	s29 =	sshll.u32 s2, $0x14;
	p0 =	sne.s32 s2, $0x0  }
0x7: {  	_ =	strace $0x80000047;
	s5 =	sshll.u32 s13, $0x9;
	s28 =	ssub.s32 $0x2, s13  }
0x8: {  	s23 =	sshll.u32 s13, $0x12;
	s13 =	sshll.u32 s13, $0x18;
	s26 =	sor.u32 s6, s5  }
0x9: {  	s8 =	sshrl.u32 s28, $0x1;
	s23 =	sor.u32 s23, s11;
	s13 =	sadd.s32 s13, s14  }
0xa: {  	s6 =	sshll.u32 s26, $0xF;
	s7 =	sshll.u32 s26, $0x7;
	s16 =	ssub.s32 s28, s8  }
0xb: {  	s30 =	sxor.u32 $0x7EE00, s23;
	s13 =	sadd.s32 s29, s13;
	s4 =	sadd.s32 s14, s6  }
0xc: {  	s12 =	ssub.s32 s15, s7;
	s31 =	sshrl.u32 s30, $0x2;
	s13 =	sadd.s32 $0x40000, s13  }
0xd: {  	s17 =	sadd.s32 $0x1FF80, s12;
	s5 =	sadd.s32 $0x8000, s4;
	s18 =	sadd.s32 $0x1FF00, s12  }
0xe: {  	s6 =	sadd.s32 $0x10000, s4;
	s19 =	sadd.s32 $0x1FE80, s12;
	s7 =	sadd.s32 $0x18000, s4  }
0xf: {  	s20 =	sadd.s32 $0x1FE00, s12;
	s8 =	sadd.s32 $0x20000, s4;
	s21 =	sadd.s32 $0x1FD80, s12  }
0x10: {  	s9 =	sadd.s32 $0x28000, s4;
	s22 =	sadd.s32 $0x1FD00, s12;
	s10 =	sadd.s32 $0x30000, s4  }
0x11: {  	s24 =	sadd.s32 $0x1FC80, s12;
	s11 =	sadd.s32 $0x38000, s4;
	s25 =	sadd.s32 $0x1FC00, s12  }
0x12: {  	s12 =	smax.u32 s16, $0x1;
	s14 =	sadd.s32 s31, s15;
	s15 =	sshrl.u32 @!p0 s15, $0x3  }
0x13: {  	s16 =	sshrl.u32 s17, $0x3;
	s17 =	sshrl.u32 s18, $0x3;
	s18 =	sshrl.u32 s19, $0x3  }
0x14: {  	s19 =	sshrl.u32 s20, $0x3;
	s20 =	sshrl.u32 s21, $0x3;
	s21 =	sshrl.u32 s22, $0x3  }
0x15: {  	s22 =	sshrl.u32 s24, $0x3;
	s23 =	sshrl.u32 s25, $0x3;
	s24 =	simm.s32 $0x1  }
.LBB2_1:
0x16: {  	s25 =	simm.s32 @!p0 $0x1C02  }
0x17: {  	[spmem:s15], [sflag:s25] =	dma.local @!p0 [hbm:s3], $0xFFF0  }
0x18: {  	s25 =	simm.s32 @!p0 $0x2  }
0x19: {  	_ =	swait.ge @!p0 [sflag:s25], $0xFFF0  }
0x1a: {  	[sflag:s25] =	ssyncset.done @!p0 $0x0  }
0x1b: {  	s31 =	sshll.u32 s2, $0x6;
	[sflag:s25] =	ssyncadd.s32 @!p0 $0xFFFF0010  }
0x1c: {  	s25 =	sor.u32 $0x1C01, s31;
	[bflag:$0x0] =	sbarrier.arrive $0xFFFF  }
0x1d: {  	[hbm:s4], [sflag:s25] =	dma.local [spmem:s16], $0x8000  }
0x1e: {  	[hbm:s5], [sflag:s25] =	dma.local [spmem:s17], $0x8000  }
0x1f: {  	[hbm:s6], [sflag:s25] =	dma.local [spmem:s18], $0x8000  }
0x20: {  	[hbm:s7], [sflag:s25] =	dma.local [spmem:s19], $0x8000  }
0x21: {  	[hbm:s8], [sflag:s25] =	dma.local [spmem:s20], $0x8000  }
0x22: {  	[hbm:s9], [sflag:s25] =	dma.local [spmem:s21], $0x8000  }
0x23: {  	[hbm:s10], [sflag:s25] =	dma.local [spmem:s22], $0x8000  }
0x24: {  	[hbm:s11], [sflag:s25] =	dma.local [spmem:s23], $0x8000  }
0x25: {  	_ =	swait.ge [sflag:s24], $0x8000  }
0x26: {  	s26 =	sadd.s32 $0x0, s14;
	[sflag:s24] =	ssyncset.done $0x0  }
0x27: {  	s26 =	sshrl.u32 s26, $0x3;
	[sflag:s24] =	ssyncadd.s32 $0xFFFF8000  }
0x28: {  	[hbm:s13], [sflag:s25] =	dma.local [spmem:s26], $0x8000  }
0x29: {  	s28 =	smov.u32 s13;
	s26 =	simm.s32 $0xFFFFFE00  }
.LBB2_2:
0x2a: {  	_ =	swait.ge [sflag:s24], $0x8000;
	p1 =	sne.s32 s26, $0xFFFFD200  }
.Ltmp0:
0x2b: {  	(pc) =	sbr.rel @p1 .LBB2_2-.Ltmp0, $4  }
0x2c: {  	s29 =	sshra.s32 s26, $0x2;
	s26 =	sadd.s32 $0xFFFFFE00, s26  }
0x2d: {  	s29 =	sadd.s32 s29, s14;
	[sflag:s24] =	ssyncset.done $0x0  }
0x2e: {  	s28 =	sadd.s32 $0x8000, s28;
	s29 =	sshrl.u32 s29, $0x3;
	[sflag:s24] =	ssyncadd.s32 $0xFFFF8000  }
0x2f: {  	[hbm:s28], [sflag:s25] =	dma.local [spmem:s29], $0x8000  }
0x30: {  	_ =	swait.ge [sflag:s24], $0x8000  }
0x31: {  	[sflag:s24] =	ssyncset.done $0x0  }
0x32: {  	[sflag:s24] =	ssyncadd.s32 $0xFFFF8000  }
0x33: {  	_ =	swait.ge [sflag:s24], $0x8000  }
0x34: {  	[sflag:s24] =	ssyncset.done $0x0  }
0x35: {  	[sflag:s24] =	ssyncadd.s32 $0xFFFF8000  }
0x36: {  	_ =	swait.ge [sflag:s24], $0x8000  }
0x37: {  	[sflag:s24] =	ssyncset.done $0x0  }
0x38: {  	[sflag:s24] =	ssyncadd.s32 $0xFFFF8000  }
0x39: {  	_ =	swait.ge [sflag:s24], $0x8000  }
0x3a: {  	[sflag:s24] =	ssyncset.done $0x0  }
0x3b: {  	[sflag:s24] =	ssyncadd.s32 $0xFFFF8000  }
0x3c: {  	_ =	swait.ge [sflag:s24], $0x8000  }
0x3d: {  	[sflag:s24] =	ssyncset.done $0x0  }
0x3e: {  	[sflag:s24] =	ssyncadd.s32 $0xFFFF8000  }
0x3f: {  	_ =	swait.ge [sflag:s24], $0x8000  }
0x40: {  	[sflag:s24] =	ssyncset.done $0x0  }
0x41: {  	s1 =	sadd.s32 $0x1, s1;
	[sflag:s24] =	ssyncadd.s32 $0xFFFF8000  }
0x42: {  	p1 =	sne.s32 s1, s12;
	_ =	swait.ge [sflag:s24], $0x8000  }
.Ltmp1:
0x43: {  	[sflag:s24] =	ssyncset.done $0x0;
	(pc) =	sbr.rel @p1 .LBB2_1-.Ltmp1, $4  }
0x44: {  	[sflag:s24] =	ssyncadd.s32 $0xFFFF8000  }
0x45: {  	_ =	swait.ge [sflag:s24], $0x8000  }
0x46: {  	[sflag:s24] =	ssyncset.done $0x0  }
0x47: {  	[sflag:s24] =	ssyncadd.s32 $0xFFFF8000  }
0x48: {  	_ =	sfence.sel $0x180000  }
0x49: {  	[bflag:$0x0] =	sbarrier.arrive $0xFFFF  }
0x4a: {  	_ =	strace $0x90000047  }
0x4b: {  	s0 =	sadd.s32 @!p0 $0x100000, s0;
	[bflag:$0x2] =	sbarrier.arrive $0xFFFF  }
0x4c: {  	[sflag:s0] =	ssyncadd.tile.s32 @!p0 $0x1;
	_ =	shalt  }
.Lfunc_end2:
_tile_overlayer_lowered:
.L_overlay_start_2:
0x4d: {  	(tag) =	ssettag $0x2  }
0x4e: {  	s0 =	rddreg [dreg:$0x0];
	s2 =	stileid.u32  }
0x4f: {  	s1 =	rddreg [dreg:$0x1];
	p0 =	sne.s32 s2, $0x0  }
0x50: {  	s3 =	rddreg [dreg:$0x2];
	[bflag:$0x3] =	sbarrier.arrive $0xFFFF;
	s2 =	simm.s32 @!p0 $0x1C02  }
0x51: {  	[timem:s3], [sflag:s2] =	dma.local @!p0 [hbm:s0], s1  }
0x52: {  	s0 =	simm.s32 @!p0 $0x2  }
0x53: {  	_ =	swait.ge @!p0 [sflag:s0], s1  }
0x54: {  	s1 =	ssub.s32 @!p0 $0x0, s1;
	[sflag:s0] =	ssyncset.done @!p0 $0x0  }
0x55: {  	[sflag:s0] =	ssyncadd.s32 @!p0 s1  }
0x56: {  	[bflag:$0x3] =	sbarrier.arrive $0xFFFF  }
0x57: {  	_ =	shalt  }

// kernel: sparse-core-data-format-call.cloned.1.call-start
scs
called_computation_lowered:
.L_overlay_start_0:
0x0: {  	s2 =	sld [smem:$0x3FD9]  }
0x1: {  	s3 =	sld [smem:$0x3FFE];
	_ =	sdelay $0x1  }
0x2: {  	s1 =	srdreg.scid  }
0x3: {  	s0 =	sand.u32 $0x1, s1  }
0x4: {  	s18 =	sshll.u32 s0, $0xA;
	s2 =	sadd.s32 s3, s2  }
0x5: {  	s2 =	sadd.s32 s2, s18  }
0x6: {  	[smem:$0x3FC7] =	sst s2  }
0x7: {  	_ = 	snop  }
0x8: {  	s2 =	sld [smem:$0x3FD0];
	(tm) =	ssettm $0x1  }
0x9: {  	s19 =	sld [smem:$0x3FFB];
	_ =	sdelay $0x3  }
0xa: {  	_ =	strace s19  }
0xb: {  	s3 =	sld [smem:$0x3FFC];
	_ =	sdelay $0x3  }
0xc: {  	_ =	strace s3  }
0xd: {  	s3 =	sld [smem:$0x3FFD];
	_ =	sdelay $0x3  }
0xe: {  	_ =	strace s3  }
0xf: {  	_ =	strace $0x8FFFFFFF  }
0x10: {  	s20 =	sld [smem:$0x3FDB];
	_ =	sdelay $0x1  }
0x11: {  	s4 =	simm.s32 $_scs_section_size  }
0x12: {  	s5 =	simm.s32 $_size__tile_overlayer_lowered;
	s6 =	simm.s32 $_tile_overlayer_lowered  }
0x13: {  	s23 =	simm.s32 $0x1BFF;
	s22 =	sshll.u32 s6, $0x1;
	s3 =	sadd.s32 s4, s20  }
0x14: {  	s7 =	simm.s32 $0x0;
	s21 =	sshll.u32 s5, $0x1;
	s5 =	sadd.s32 s22, s3  }
0x15: {  	[timem:s7], [sflag:s23] =	dma.local [hbm:s5], s21  }
0x16: {  	_ =	swait.ge [sflag:s23], s21  }
0x17: {  	s4 =	ssub.s32 $0x0, s21;
	[sflag:s23] =	ssyncset.done $0x0  }
0x18: {  	[sflag:s23] =	ssyncadd.s32 s4;
	_ =	sdelay $0x1  }
0x19: {  	s24 =	simm.s32 $0x1B8B  }
0x1a: {  	_ =	swait.ge [sflag:s24], $0x1  }
0x1b: {  	[sflag:s24] =	ssyncset.done $0x0  }
0x1c: {  	s26 =	simm.s32 $0x1B8E;
	s25 =	sld [smem:$0x3FFE];
	[sflag:s24] =	ssyncadd.s32 $0xFFFFFFFF  }
0x1d: {  	s27 =	simm.s32 $execute0_lowered;
	[smem:$0x3FD2] =	sst s26  }
0x1e: {  	s5 =	sshll.u32 s27, $0x1;
	_ =	strace $0x80000049;
	[dreg:$0x1] =	wrdreg $0xFFFFFFFF  }
0x1f: {  	s28 =	simm.s32 $_size_execute0_lowered;
	s3 =	sadd.s32 s3, s5;
	[dreg:$0x0] =	wrdreg $0x0  }
0x20: {  	s5 =	sshll.u32 s28, $0x1;
	[dreg:$0x2] =	wrdreg s3  }
0x21: {  	[dreg:$0x3] =	wrdreg s5  }
0x22: {  	[dreg:$0x4] =	wrdreg $0xC0  }
0x23: {  	_ =	task [dreg:s7], $0x5FFFF  }
0x24: {  	[dreg:$0x1] =	wrdreg $0xFFFFFFFF  }
0x25: {  	[dreg:$0x0] =	wrdreg $0x60  }
0x26: {  	[dreg:$0x2] =	wrdreg s25  }
0x27: {  	[dreg:$0x3] =	wrdreg s2  }
0x28: {  	[dreg:$0x4] =	wrdreg $0x9  }
0x29: {  	_ =	task.clear_ibuf [dreg:s7], $0x5FFFF;
	_ =	strace $0x90000049  }
0x2a: {  	s29 =	simm.s32 $0x9;
	_ =	strace $0x8000004B  }
0x2b: {  	_ =	swait.ge [sflag:s29], $0x1  }
0x2c: {  	[sflag:s29] =	ssyncadd.s32 $0xFFFFFFFF  }
0x2d: {  	_ =	strace $0x9000004B  }
0x2e: {  	_ =	sfence  }
0x2f: {  	s30 =	sld [smem:$0x0];
	_ =	sdelay $0x2  }
0x30: {  	s31 =	sshll.u32 s1, $0xD;
	s1 =	sshrl.u32 s1, $0x2  }
0x31: {  	s3 =	sand.u32 $0x4000, s31;
	s1 =	sadd.s32 s1, s30  }
0x32: {  	s0 =	sor.u32 s3, s0;
	s1 =	sshll.u32 s1, $0x11  }
0x33: {  	s0 =	sor.u32 s1, s0  }
0x34: {  	s0 =	sadd.s32 $0x8F2B, s0  }
0x35: {  	[sflag:s0] =	ssyncadd.remote.s32 $0x1  }
0x36: {  	_ =	sfence.sel $0xFFFF  }
0x37: {  	[dreg:$0x0] =	wrdreg $0xFFFFFFFF;
	(pc) =	sbr.abs _section_cstart, $3  }
0x38: {  	[dreg:$0x1] =	wrdreg $0xFFFFFFFF  }
0x39: {  	_ =	task.clear_ibuf [dreg:s7], $0x2FFFF;
	_ =	strace $0x9FFFFFFF  }
0x3a: {  	(tm) =	ssettm $0x7FFFFFFF  }
0x3b: {  	_ =	shalt  }
tec
execute0_lowered:
.L_overlay_start_1:
0x0: {  	(tag) =	ssettag $0x1  }
0x1: {  	s0 =	srdreg.scid  }
0x2: {  	s7 =	rddreg [dreg:$0x0];
	s1 =	sshll.u32 s0, $0x4  }
0x3: {  	s3 =	rddreg [dreg:$0x1];
	s0 =	stileid.u32;
	s1 =	sand.u32 $0x10, s1  }
0x4: {  	s6 =	simm.s32 $0x1;
	s31 =	simm.s32 $0x2;
	s1 =	sor.u32 s0, s1  }
0x5: {  	s13 =	simm.s32 $0x0;
	s9 =	simm.s32 $0x4000;
	s2 =	sshll.u32 s1, $0x1  }
0x6: {  	s14 =	simm.s32 $0x0;
	s10 =	simm.s32 $0x0;
	s4 =	ssub.s32 $0x800, s2  }
0x7: {  	s12 =	simm.s32 $0x0;
	s1 =	rddreg [dreg:$0x2];
	s5 =	sand.u32 $0x3E, s4  }
.Ltmp0:
0x8: {  	_ =	strace $0x8000004A;
	p0 =	sne.s32 s5, $0x0;
	(pc) =	sbr.rel .LBB1_1-.Ltmp0, $4  }
0x9: {  	s11 =	smov.u32 s2;
	s8 =	sshrl.u32 s4, $0x6;
	s6 =	simm.s32 @!p0 $0x0  }
0xa: {  	s4 =	sadd.s32 $0x2010A00, s7;
	s5 =	simm.s32 $0x1;
	s6 =	sadd.s32 s6, s8  }
0xb: {  	s7 =	sadd.s32 $0x2018A00, s7;
	[sflag:s5] =	ssyncpa.u1 $0x0;
	s6 =	sshll.u32 s6, $0x4  }
0xc: {  	p0 =	por $0x0, $0x0;
	[sflag:s31] =	ssyncpa.u1 $0x0;
	s8 =	sor.u32 $0x1, s6  }
.LBB1_7:
0xd: {  	s15 =	sadd.s32 $0x80, s10  }
0xe: {  	s13 =	sadd.s32 $0x40, s11;
	s17 =	smov.u32 s11;
	p2 =	sgt.s32 s15, $0x7FF  }
0xf: {  	s17 =	smov.u32 @p2 s13  }
0x10: {  	s15 =	simm.s32 @p2 $0x0;
	p2 =	sgt.s32 s17, $0x7FF  }
0x11: {  	s17 =	smov.u32 @p2 s2;
	p2 =	sne.s32 s12, s8  }
.Ltmp1:
0x12: {  	p1 =	slt.u32 s12, $0x2;
	(pc) =	sbr.rel @!p2 .LBB1_8-.Ltmp1, $4  }
0x13: {  	s16 =	simm.s32 @!p1 $0x2  }
0x14: {  	s14 =	smov.u32 s11;
	p0 =	por !p0, !p0;
	_ =	swait.ge @!p1 [sflag:s16], $0x4000  }
0x15: {  	s13 =	smov.u32 s10;
	[sflag:s16] =	ssyncset.done @!p1 $0x0;
	s10 =	smov.u32 s15  }
0x16: {  	s12 =	sadd.s32 $0x1, s12;
	[sflag:s16] =	ssyncadd.s32 @!p1 $0xFFFFC000;
	s11 =	smov.u32 s17  }
.LBB1_1:
0x17: {  	p1 =	sge.u32 s12, s6  }
0x18: {  	s15 =	sxor.u32 @!p1 $0xFFFFFFFF, s12;
	s16 =	sshll.u32 @!p1 s11, $0xF  }
0x19: {  	s17 =	sshll.u32 @!p1 s10, $0x4;
	s19 =	simm.s32 @!p1 $0x40;
	s20 =	simm.s32 @!p1 $0x80  }
0x1a: {  	s15 =	sshll.u32 @!p1 s15, $0xE;
	s17 =	sand.u32 @!p1 $0x7FF0, s17;
	s18 =	sadd.s32 @!p1 s4, s16  }
0x1b: {  	s16 =	sadd.s32 @!p1 s16, s7;
	s15 =	sand.u32 @!p1 $0x4000, s15;
	s18 =	sadd.s32 @!p1 s17, s18  }
0x1c: {  	[tilespmem:s15], [sflag:$0x1] =	stream.strided.gather @!p1 [hbm4b:s18+s19], $0x2000, s20, s19, $0x38;
	[tilespmem:$0x10100] =	vst v63  }
0x1d: {  	s31 =	sadd.s32 $0xFFFFFFFF, s12;
	s16 =	sadd.s32 @!p1 s17, s16;
	s15 =	sor.u32 @!p1 $0x2000, s15  }
0x1e: {  	[tilespmem:s15], [sflag:$0x1] =	stream.strided.gather @!p1 [hbm4b:s16+s19], $0x2000, s20, s19, $0x38;
	[tilespmem:$0x10100] =	vst v63  }
0x1f: {  	p1 =	sge.u32 s31, s6  }
.Ltmp2:
0x20: {  	_ = 	snop;
	(pc) =	sbr.rel @p1 .LBB1_7-.Ltmp2, $1  }
0x21: {  	_ =	sdelay $0x3  }
0x22: {  	s15 =	simm.s32 $0x1;
	s17 =	sand.u32 $0x1, s12  }
0x23: {  	_ =	swait.ge [sflag:s5], $0x4000;
	s15 =	simm.s32 @!p0 $0x0;
	s17 =	smul.u32 $0x10200, s17  }
0x24: {  	p2 =	por $0x1, $0x1;
	[sflag:s5] =	ssyncset.done $0x0;
	s16 =	smul.u32 $0x10200, s15  }
0x25: {  	s18 =	sshll.u32 s15, $0x10;
	[sflag:s5] =	ssyncadd.s32 $0xFFFFC000;
	s30 =	sshrl.u32 s17, $0x2  }
0x26: {  	s31 =	sshrl.u32 s18, $0x2;
	s18 =	simm.s32 $0x0;
	s16 =	sshrl.u32 s16, $0x2  }
0x27: {  	s15 =	sor.u32 $0x8000, s30;
	s17 =	sadd.s32 $0x20, s31;
	s16 =	sor.u32 $0x8000, s16  }
.LBB1_3:
0x28: {  	s19 =	sshll.u32 s18, $0xD  }
0x29: {  	s19 =	sand.u32 $0x3FFFE000, s19  }
0x2a: {  	s21 =	sadd.s32 s19, s17  }
0x2b: {  	s31 =	smul.u32 $0x8100, s18;
	v3 =	vld [tilespmem:s21+$0x10]  }
0x2c: {  	v1 =	vld [tilespmem:s21+$0xFFFFFFF0]  }
0x2d: {  	s18 =	sshra.s32 s31, $0x2;
	v0 =	vld [tilespmem:s21+$0x0]  }
0x2e: {  	s18 =	sadd.s32 s18, s16;
	v2 =	vld [tilespmem:s21+$0xFFFFFFE0]  }
0x2f: {  	s19 =	sadd.s32 $0x0, s18  }
0x30: {  	p1 =	por p2, p2;
	s20 =	simm.s32 $0x4;
	s21 =	sadd.s32 $0x40, s21;
	[tilespmem:s19+$0x1830 ss:$0x81] =	vst.msk $0xffff, v3  }
.LBB1_4:
0x31: {  	v3 =	vld [tilespmem:s21+$0x10];
	p2 =	sne.s32 s20, $0x1FC;
	[tilespmem:s19+$0x810 ss:$0x81] =	vst.msk $0xffff, v1;
	s22 =	smov.u32 s20;
	s20 =	sadd.s32 $0x4, s20  }
.Ltmp3:
0x32: {  	v1 =	vld [tilespmem:s21+$0xFFFFFFF0];
	[tilespmem:s19+$0x1020 ss:$0x81] =	vst.msk $0xffff, v0;
	(pc) =	sbr.rel @p2 .LBB1_4-.Ltmp3, $4  }
0x33: {  	v0 =	vld [tilespmem:s21+$0x0];
	[tilespmem:s19+$0x0 ss:$0x81] =	vst.msk $0xffff, v2  }
0x34: {  	s19 =	sshra.s32 s22, $0x2;
	v2 =	vld [tilespmem:s21+$0xFFFFFFE0]  }
0x35: {  	s19 =	sadd.s32 s19, s18  }
0x36: {  	s21 =	sadd.s32 $0x40, s21;
	[tilespmem:s19+$0x1830 ss:$0x81] =	vst.msk $0xffff, v3  }
.Ltmp4:
0x37: {  	(pc) =	sbr.rel @p1 .LBB1_3-.Ltmp4, $4  }
0x38: {  	_ = 	snop  }
0x39: {  	[tilespmem:s19+$0x810 ss:$0x81] =	vst.msk $0xffff, v1  }
0x3a: {  	[tilespmem:s19+$0x1020 ss:$0x81] =	vst.msk $0xffff, v0  }
0x3b: {  	s18 =	simm.s32 $0x1;
	p2 =	por $0x0, $0x0;
	[tilespmem:s19+$0x0 ss:$0x81] =	vst.msk $0xffff, v2  }
0x3c: {  	s16 =	sshll.u32 s13, $0x3;
	s17 =	sand.u32 $0x78, s13;
	s14 =	sshll.u32 s14, $0xE  }
.Ltmp5:
0x3d: {  	s30 =	sand.u32 $0x3F00, s13;
	s16 =	sand.u32 $0x400, s16;
	(pc) =	sbr.rel .LBB1_7-.Ltmp5, $4  }
0x3e: {  	s31 =	sand.u32 $0x7, s13;
	s14 =	sadd.s32 s3, s14;
	s16 =	sor.u32 s17, s16  }
0x3f: {  	s13 =	sshll.u32 s31, $0x12;
	s14 =	sadd.s32 s30, s14;
	s16 =	sshrl.u32 s16, $0x3  }
0x40: {  	s13 =	sor.u32 $0x400, s13;
	s14 =	sadd.s32 s16, s14  }
0x41: {  	[hbm4b:s14+s13] =	stream.strided.scatter [tilespmem:s15], [sflag:$0x2], $0x4000, s9, s13, $0x20;
	[tilespmem:$0x10100] =	vst v63  }
.LBB1_8:
0x42: {  	_ =	sfence.sel $0x180000  }
0x43: {  	s2 =	simm.s32 $0x1;
	[bflag:$0x0] =	sbarrier.arrive $0xFFFF  }
0x44: {  	s31 =	simm.s32 $0x2;
	[sflag:s2] =	ssyncpa.u1 $0x1  }
0x45: {  	[sflag:s31] =	ssyncpa.u1 $0x1  }
0x46: {  	p0 =	sne.s32 s0, $0x0;
	_ =	strace $0x9000004A  }
0x47: {  	s0 =	sadd.s32 @!p0 $0x100000, s1;
	[bflag:$0x2] =	sbarrier.arrive $0xFFFF  }
0x48: {  	[sflag:s0] =	ssyncadd.tile.s32 @!p0 $0x1;
	_ =	shalt  }
.Lfunc_end1:
_tile_overlayer_lowered:
.L_overlay_start_2:
0x49: {  	(tag) =	ssettag $0x2  }
0x4a: {  	s0 =	rddreg [dreg:$0x0];
	s2 =	stileid.u32  }
0x4b: {  	s1 =	rddreg [dreg:$0x1];
	p0 =	sne.s32 s2, $0x0  }
0x4c: {  	s3 =	rddreg [dreg:$0x2];
	[bflag:$0x3] =	sbarrier.arrive $0xFFFF;
	s2 =	simm.s32 @!p0 $0x1C01  }
0x4d: {  	[timem:s3], [sflag:s2] =	dma.local @!p0 [hbm:s0], s1  }
0x4e: {  	s0 =	simm.s32 @!p0 $0x1  }
0x4f: {  	_ =	swait.ge @!p0 [sflag:s0], s1  }
0x50: {  	s1 =	ssub.s32 @!p0 $0x0, s1;
	[sflag:s0] =	ssyncset.done @!p0 $0x0  }
0x51: {  	[sflag:s0] =	ssyncadd.s32 @!p0 s1  }
0x52: {  	[bflag:$0x3] =	sbarrier.arrive $0xFFFF  }
0x53: {  	_ =	shalt  }

</sc_bundles>
